<compile_context>
chip_gen: v7x
topology: tpu7x:2x2x1
jax: 0.10.2.dev20260603
libtpu: 0.0.44.dev20260713+nightly
codegen_flags: <defaults>
</compile_context>

<pallas_src>
import functools
import heapq
from collections import defaultdict

import jax
import jax.numpy as jnp
from jax import lax
from jax.experimental import pallas as pl
from jax.experimental.pallas import tpu as pltpu
from jax.experimental.pallas import tpu_sc as plsc

_VOCAB = 256
_DIM = 64
_LANES = 16


def _verify_path_formula():
    heap = [[w, [n]] for n, w in {i: 1 for i in range(_VOCAB)}.items()]
    heapq.heapify(heap)
    tree = defaultdict(list)
    while len(heap) > 1:
        lo = heapq.heappop(heap)
        hi = heapq.heappop(heap)
        for node in lo[1]:
            tree[node].append((len(heap), 0))
        for node in hi[1]:
            tree[node].append((len(heap), 1))
        heapq.heappush(heap, [lo[0] + hi[0], lo[1] + hi[1]])
    for node in range(_VOCAB):
        path = tree[node]
        assert len(path) == 8
        for k, (parent, direction) in enumerate(path):
            assert parent == (_VOCAB >> k) - 2 - (node >> (k + 1))
            assert direction == (node >> k) & 1


_verify_path_formula()


def _sc_gather_body(tgt_hbm, w_hbm, b_hbm,
                    rows_out, aux_out,
                    tgt_v, bv_v, aux_v, sem, sem2):
    cid = lax.axis_index("c")
    sid = lax.axis_index("s")

    @pl.when(jnp.logical_and(cid == 0, sid == 0))
    def _():
        pltpu.sync_copy(tgt_hbm, tgt_v.at[pl.ds(0, 1)])
        t = tgt_v[...][0]
        k = lax.iota(jnp.int32, _LANES)
        tb = jnp.full((_LANES,), t, jnp.int32)
        par = (jnp.int32(_VOCAB) >> k) - 2 - (tb >> (k + 1))
        valid = k < 8
        pv = jnp.where(valid, par, 0)
        sgn = (2 * ((tb >> k) & 1) - 1).astype(jnp.float32)
        a = jnp.where(valid, sgn, jnp.float32(0.0))
        c = jnp.where(valid, jnp.float32(0.0), jnp.float32(30.0))
        cp_b = pltpu.async_copy(b_hbm.at[pv], bv_v, sem2)
        row_cps = []
        for j in range(_LANES):
            pj = pv[j]
            row_cps.append(pltpu.async_copy(
                w_hbm.at[pl.ds(pj, 1)], rows_out.at[pl.ds(j, 1)], sem))
        cp_b.wait()
        aux_v[0, :] = a
        aux_v[1, :] = a * bv_v[...] + c
        pltpu.sync_copy(aux_v, aux_out)
        for cp in row_cps:
            cp.wait()


def _sc_gather(tgt, w, b):
    run = functools.partial(
        pl.kernel,
        out_type=[
            jax.ShapeDtypeStruct((_LANES, _DIM), jnp.float32),
            jax.ShapeDtypeStruct((2, _LANES), jnp.float32),
        ],
        mesh=plsc.VectorSubcoreMesh(core_axis_name="c", subcore_axis_name="s",
                                    num_cores=1),
        scratch_types=[
            pltpu.VMEM((_LANES,), jnp.int32),
            pltpu.VMEM((_LANES,), jnp.float32),
            pltpu.VMEM((2, _LANES), jnp.float32),
            pltpu.SemaphoreType.DMA,
            pltpu.SemaphoreType.DMA,
        ],
    )(_sc_gather_body)
    return run(tgt, w, b)


_TC_BLK = 8192


def _tc_dense_body(emb_ref, rows_ref, aux_ref, out_ref):
    scores = lax.dot_general(rows_ref[...], emb_ref[...],
                             (((1,), (1,)), ((), ())),
                             preferred_element_type=jnp.float32)
    aux_t = aux_ref[...].T
    f = jax.nn.sigmoid(aux_t[:, 0:1] * scores + aux_t[:, 1:2])
    f = f[0:8, :] * f[8:16, :]
    f = f[0:4, :] * f[4:8, :]
    f = f[0:2, :] * f[2:4, :]
    f = f[0:1, :] * f[1:2, :]
    out_ref[...] = f.reshape(out_ref.shape)


def _tc_dense(emb, rows, aux):
    batch, dim = emb.shape
    out = pl.pallas_call(
        _tc_dense_body,
        grid=(batch // _TC_BLK,),
        in_specs=[
            pl.BlockSpec((_TC_BLK, dim), lambda i: (i, 0)),
            pl.BlockSpec((_LANES, dim), lambda i: (0, 0)),
            pl.BlockSpec((2, _LANES), lambda i: (0, 0)),
        ],
        out_specs=pl.BlockSpec((_TC_BLK // 128, 128), lambda i: (i, 0)),
        out_shape=jax.ShapeDtypeStruct((batch // 128, 128), jnp.float32),
    )(emb, rows, aux)
    return out.reshape(batch)


@jax.jit
def kernel(embeddings, target, W, b):
    rows, aux = _sc_gather(target.astype(jnp.int32), W, b)
    return _tc_dense(embeddings, rows, aux)

# --- scband reference (transcript-rebuilt; emitter-appended) ---
"""Pipeline reference for scband-hierarchical-softmax-4544075399420 (READ-ONLY COPY).

The authoritative reference and input builder live on the scoring server;
editing this copy changes nothing except your own understanding.
"""

import jax, jax.numpy as jnp
import numpy as np
import heapq
from collections import defaultdict

VOCAB_SIZE = 256
EMBEDDING_DIM = 64
BATCH = 16384


def _build_tree(frequencies):
    heap = [[weight, [node]] for node, weight in frequencies.items()]
    heapq.heapify(heap)
    tree = defaultdict(list)
    while len(heap) > 1:
        lo = heapq.heappop(heap)
        hi = heapq.heappop(heap)
        for node in lo[1]:
            tree[node].append((len(heap), 0))
        for node in hi[1]:
            tree[node].append((len(heap), 1))
        heapq.heappush(heap, [lo[0] + hi[0], lo[1] + hi[1]])
    return tree


_FREQUENCIES = {i: 1 for i in range(VOCAB_SIZE)}
_TREE = _build_tree(_FREQUENCIES)

_MAX_PATH_LEN = max(len(_TREE[i]) for i in range(VOCAB_SIZE))
_PATH_PARENTS = np.zeros((VOCAB_SIZE, _MAX_PATH_LEN), dtype=np.int32)
_PATH_DIRS = np.zeros((VOCAB_SIZE, _MAX_PATH_LEN), dtype=np.int32)
_PATH_MASK = np.zeros((VOCAB_SIZE, _MAX_PATH_LEN), dtype=bool)
for _node in range(VOCAB_SIZE):
    for _i, (_parent, _direction) in enumerate(_TREE[_node]):
        _PATH_PARENTS[_node, _i] = _parent
        _PATH_DIRS[_node, _i] = _direction
        _PATH_MASK[_node, _i] = True


def setup_inputs(seed: int = 0):
    key = jax.random.key(seed)
    k1, k2, k3, k4 = jax.random.split(key, 4)
    embeddings = jax.random.normal(k1, (BATCH, EMBEDDING_DIM), dtype=jnp.float32)
    target = jax.random.randint(k2, (1,), 0, VOCAB_SIZE)
    bound = 1.0 / np.sqrt(EMBEDDING_DIM)
    # Stacked nn.Linear(embedding_dim, 1) classifiers: W[i] is the weight row of
    # classifier str(i), b[i] its bias (PyTorch default uniform init).
    W = jax.random.uniform(k3, (VOCAB_SIZE, EMBEDDING_DIM), minval=-bound, maxval=bound, dtype=jnp.float32)
    b = jax.random.uniform(k4, (VOCAB_SIZE,), minval=-bound, maxval=bound, dtype=jnp.float32)
    return {'embeddings': embeddings, 'target': target, 'W': W, 'b': b}


def reference(embeddings, target, W, b):
    # path lookup is host-side control flow, exactly like the torch module
    parents = jnp.take(jnp.asarray(_PATH_PARENTS), target[0], axis=0)
    dirs = jnp.take(jnp.asarray(_PATH_DIRS), target[0], axis=0)
    mask = jnp.take(jnp.asarray(_PATH_MASK), target[0], axis=0)
    prob = jnp.asarray(1.0, dtype=embeddings.dtype)
    for i in range(_MAX_PATH_LEN):
        # gather one classifier row (sparse row lookup) + matvec over the batch
        w_row = jnp.take(W, parents[i], axis=0)
        b_row = jnp.take(b, parents[i], axis=0)
        score = embeddings @ w_row + b_row  # [B]
        s = jax.nn.sigmoid(score)
        factor = jnp.where(dirs[i] == 1, s, 1.0 - s)
        factor = jnp.where(mask[i], factor, jnp.ones_like(factor))
        prob = prob * factor
    return prob

if __name__ == "__main__":
    import jax
    _d = setup_inputs()
    print(jax.jit(kernel)(*tuple(_d.values())))

</pallas_src>

<mosaic_0001>
#map = affine_map<(d0, d1) -> (0)>
#map1 = affine_map<(d0, d1) -> (0, 0)>
module attributes {stable_mosaic.version = 14 : i64} {
  func.func @_sc_gather_body(%arg0: i32, %arg1: i32, %arg2: memref<1xi32, #tpu.memory_space<hbm>>, %arg3: memref<256x64xf32, #tpu.memory_space<hbm>>, %arg4: memref<256xf32, #tpu.memory_space<hbm>>, %arg5: memref<16x64xf32, #tpu.memory_space<hbm>>, %arg6: memref<2x16xf32, #tpu.memory_space<hbm>>, %arg7: memref<16xi32, #tpu.memory_space<vmem>>, %arg8: memref<16xf32, #tpu.memory_space<vmem>>, %arg9: memref<2x16xf32, #tpu.memory_space<vmem>>, %arg10: memref<!tpu.dma_semaphore, #tpu.memory_space<semaphore_mem>>, %arg11: memref<!tpu.dma_semaphore, #tpu.memory_space<semaphore_mem>>) attributes {dimension_semantics = [#tpu.dimension_semantics<core_parallel>, #tpu.dimension_semantics<subcore_parallel>], iteration_bounds = array<i64: 1, 16>, scalar_prefetch = 0 : i64, scratch_operands = 5 : i64, tpu.core_type = #tpu.core_type<sc_vector_subcore>, window_params = [{transform_indices = #map}, {transform_indices = #map1}, {transform_indices = #map}, {transform_indices = #map1}, {transform_indices = #map1}]} {
    %eq3A = arith.constant 0 : i32
    %eq3A_0 = arith.cmpi eq, %arg0, %eq3A : i32
    %eq3A_1 = arith.constant 0 : i32
    %eq3A_2 = arith.cmpi eq, %arg1, %eq3A_1 : i32
    %and3A = arith.andi %eq3A_0, %eq3A_2 : i1
    %convert_element_type3A = arith.extui %and3A : i1 to i32
    %cond3A = arith.constant 0 : i32
    %cond3A_3 = arith.cmpi ne, %convert_element_type3A, %cond3A : i32
    scf.if %cond3A_3 {
      "tpu.region"() ({
        %run_scoped3A = tpu.sem_alloc : memref<!tpu.dma_semaphore, #tpu.memory_space<semaphore_mem>>
        %dma_start3A_245 = arith.constant 0 : i32
        %dma_start3A_246 = tpu.memref_slice %arg7[%dma_start3A_245] : memref<16xi32, #tpu.memory_space<vmem>> -> memref<1xi32, #tpu.memory_space<vmem>>
        %dma_start3A_247 = arith.constant 0 : i32
        %dma_start3A_248 = tpu.memref_slice %arg7[%dma_start3A_247] : memref<16xi32, #tpu.memory_space<vmem>> -> memref<1xi32, #tpu.memory_space<vmem>>
        tpu.enqueue_dma source(%arg2 : memref<1xi32, #tpu.memory_space<hbm>>) target(%dma_start3A_248 : memref<1xi32, #tpu.memory_space<vmem>>) target_semaphore(%run_scoped3A : memref<!tpu.dma_semaphore, #tpu.memory_space<semaphore_mem>>)
        %dma_wait3A_249 = arith.constant 0 : i32
        %dma_wait3A_250 = tpu.memref_slice %arg7[%dma_wait3A_249] : memref<16xi32, #tpu.memory_space<vmem>> -> memref<1xi32, #tpu.memory_space<vmem>>
        %dma_wait3A_251 = arith.constant 0 : i32
        %dma_wait3A_252 = tpu.memref_slice %arg7[%dma_wait3A_251] : memref<16xi32, #tpu.memory_space<vmem>> -> memref<1xi32, #tpu.memory_space<vmem>>
        tpu.wait_dma2 semaphore(%run_scoped3A : memref<!tpu.dma_semaphore, #tpu.memory_space<semaphore_mem>>) src(%arg2 : memref<1xi32, #tpu.memory_space<hbm>>) dst(%dma_wait3A_252 : memref<1xi32, #tpu.memory_space<vmem>>)
        tpu.yield
      }) : () -> ()
      %get3A = arith.constant 0 : index
      %get3A_4 = tpu.vector_load %arg7[%get3A] {strides = array<i32>} : memref<16xi32, #tpu.memory_space<vmem>>, vector<16xi32>,
      %get3A_5 = vector.shape_cast %get3A_4 : vector<16xi32> to vector<16xi32>
      %slice3A = vector.extract_strided_slice %get3A_5 {offsets = [0], sizes = [1], strides = [1]} : vector<16xi32> to vector<1xi32>
      %squeeze3A = vector.extract %slice3A[0] : i32 from vector<1xi32>
      %iota3A = tpu.iota {dimensions = array<i32: 0>} : vector<16xi32>
      %broadcast_in_dim3A = vector.broadcast %squeeze3A : i32 to vector<16xi32>
      %shift_right_arithmetic3A = arith.constant 256 : i32
      %shift_right_arithmetic3A_6 = vector.broadcast %shift_right_arithmetic3A : i32 to vector<16xi32>
      %shift_right_arithmetic3A_7 = arith.shrsi %shift_right_arithmetic3A_6, %iota3A : vector<16xi32>
      %sub3A = arith.constant 2 : i32
      %sub3A_8 = vector.broadcast %sub3A : i32 to vector<16xi32>
      %sub3A_9 = arith.subi %shift_right_arithmetic3A_7, %sub3A_8 : vector<16xi32>
      %add3A = arith.constant 1 : i32
      %add3A_10 = vector.broadcast %add3A : i32 to vector<16xi32>
      %add3A_11 = arith.addi %iota3A, %add3A_10 : vector<16xi32>
      %shift_right_arithmetic3A_12 = arith.shrsi %broadcast_in_dim3A, %add3A_11 : vector<16xi32>
      %sub3A_13 = arith.subi %sub3A_9, %shift_right_arithmetic3A_12 : vector<16xi32>
      %lt3A = arith.constant 8 : i32
      %lt3A_14 = vector.broadcast %lt3A : i32 to vector<16xi32>
      %lt3A_15 = arith.cmpi slt, %iota3A, %lt3A_14 : vector<16xi32>
      %jit3A = arith.constant 0 : i32
      %broadcast_in_dim3A_16 = vector.broadcast %jit3A : i32 to vector<16xi32>
      %select_n3A = arith.select %lt3A_15, %sub3A_13, %broadcast_in_dim3A_16 : vector<16xi1>, vector<16xi32>
      %shift_right_arithmetic3A_17 = arith.shrsi %broadcast_in_dim3A, %iota3A : vector<16xi32>
      %and3A_18 = arith.constant 1 : i32
      %and3A_19 = vector.broadcast %and3A_18 : i32 to vector<16xi32>
      %and3A_20 = arith.andi %shift_right_arithmetic3A_17, %and3A_19 : vector<16xi32>
      %mul3A = arith.constant 2 : i32
      %mul3A_21 = vector.broadcast %mul3A : i32 to vector<16xi32>
      %mul3A_22 = arith.muli %mul3A_21, %and3A_20 : vector<16xi32>
      %sub3A_23 = arith.constant 1 : i32
      %sub3A_24 = vector.broadcast %sub3A_23 : i32 to vector<16xi32>
      %sub3A_25 = arith.subi %mul3A_22, %sub3A_24 : vector<16xi32>
      %convert_element_type3A_26 = arith.sitofp %sub3A_25 : vector<16xi32> to vector<16xf32>
      %jit3A_27 = arith.constant 0.000000e+00 : f32
      %broadcast_in_dim3A_28 = vector.broadcast %jit3A_27 : f32 to vector<16xf32>
      %select_n3A_29 = arith.select %lt3A_15, %convert_element_type3A_26, %broadcast_in_dim3A_28 : vector<16xi1>, vector<16xf32>
      %jit3A_30 = arith.constant 0.000000e+00 : f32
      %jit3A_31 = arith.constant 3.000000e+01 : f32
      %broadcast_in_dim3A_32 = vector.broadcast %jit3A_30 : f32 to vector<16xf32>
      %broadcast_in_dim3A_33 = vector.broadcast %jit3A_31 : f32 to vector<16xf32>
      %select_n3A_34 = arith.select %lt3A_15, %broadcast_in_dim3A_32, %broadcast_in_dim3A_33 : vector<16xi1>, vector<16xf32>
      %dma_start3A = arith.constant 0 : i32
      %dma_start3A_35 = tpu.memref_slice %arg4[%dma_start3A] : memref<256xf32, #tpu.memory_space<hbm>> -> memref<256xf32, #tpu.memory_space<hbm>>
      tpu.enqueue_indirect_dma source(%dma_start3A_35 : memref<256xf32, #tpu.memory_space<hbm>>) target(%arg8 : memref<16xf32, #tpu.memory_space<vmem>>) offsets(%select_n3A : vector<16xi32>) semaphore(%arg11 : memref<!tpu.dma_semaphore, #tpu.memory_space<semaphore_mem>>)
      %slice3A_36 = vector.extract_strided_slice %select_n3A {offsets = [0], sizes = [1], strides = [1]} : vector<16xi32> to vector<1xi32>
      %squeeze3A_37 = vector.extract %slice3A_36[0] : i32 from vector<1xi32>
      %dma_start3A_38 = arith.constant 0 : i32
      %dma_start3A_39 = arith.constant 0 : i32
      %dma_start3A_40 = tpu.memref_slice %arg5[%dma_start3A_38, %dma_start3A_39] : memref<16x64xf32, #tpu.memory_space<hbm>> -> memref<1x64xf32, #tpu.memory_space<hbm>>
      %dma_start3A_41 = arith.constant 0 : i32
      %dma_start3A_42 = tpu.memref_slice %arg3[%squeeze3A_37, %dma_start3A_41] : memref<256x64xf32, #tpu.memory_space<hbm>> -> memref<1x64xf32, #tpu.memory_space<hbm>>
      tpu.enqueue_dma source(%dma_start3A_42 : memref<1x64xf32, #tpu.memory_space<hbm>>) target(%dma_start3A_40 : memref<1x64xf32, #tpu.memory_space<hbm>>) target_semaphore(%arg10 : memref<!tpu.dma_semaphore, #tpu.memory_space<semaphore_mem>>)
      %slice3A_43 = vector.extract_strided_slice %select_n3A {offsets = [1], sizes = [1], strides = [1]} : vector<16xi32> to vector<1xi32>
      %squeeze3A_44 = vector.extract %slice3A_43[0] : i32 from vector<1xi32>
      %dma_start3A_45 = arith.constant 1 : i32
      %dma_start3A_46 = arith.constant 0 : i32
      %dma_start3A_47 = tpu.memref_slice %arg5[%dma_start3A_45, %dma_start3A_46] : memref<16x64xf32, #tpu.memory_space<hbm>> -> memref<1x64xf32, #tpu.memory_space<hbm>>
      %dma_start3A_48 = arith.constant 0 : i32
      %dma_start3A_49 = tpu.memref_slice %arg3[%squeeze3A_44, %dma_start3A_48] : memref<256x64xf32, #tpu.memory_space<hbm>> -> memref<1x64xf32, #tpu.memory_space<hbm>>
      tpu.enqueue_dma source(%dma_start3A_49 : memref<1x64xf32, #tpu.memory_space<hbm>>) target(%dma_start3A_47 : memref<1x64xf32, #tpu.memory_space<hbm>>) target_semaphore(%arg10 : memref<!tpu.dma_semaphore, #tpu.memory_space<semaphore_mem>>)
      %slice3A_50 = vector.extract_strided_slice %select_n3A {offsets = [2], sizes = [1], strides = [1]} : vector<16xi32> to vector<1xi32>
      %squeeze3A_51 = vector.extract %slice3A_50[0] : i32 from vector<1xi32>
      %dma_start3A_52 = arith.constant 2 : i32
      %dma_start3A_53 = arith.constant 0 : i32
      %dma_start3A_54 = tpu.memref_slice %arg5[%dma_start3A_52, %dma_start3A_53] : memref<16x64xf32, #tpu.memory_space<hbm>> -> memref<1x64xf32, #tpu.memory_space<hbm>>
      %dma_start3A_55 = arith.constant 0 : i32
      %dma_start3A_56 = tpu.memref_slice %arg3[%squeeze3A_51, %dma_start3A_55] : memref<256x64xf32, #tpu.memory_space<hbm>> -> memref<1x64xf32, #tpu.memory_space<hbm>>
      tpu.enqueue_dma source(%dma_start3A_56 : memref<1x64xf32, #tpu.memory_space<hbm>>) target(%dma_start3A_54 : memref<1x64xf32, #tpu.memory_space<hbm>>) target_semaphore(%arg10 : memref<!tpu.dma_semaphore, #tpu.memory_space<semaphore_mem>>)
      %slice3A_57 = vector.extract_strided_slice %select_n3A {offsets = [3], sizes = [1], strides = [1]} : vector<16xi32> to vector<1xi32>
      %squeeze3A_58 = vector.extract %slice3A_57[0] : i32 from vector<1xi32>
      %dma_start3A_59 = arith.constant 3 : i32
      %dma_start3A_60 = arith.constant 0 : i32
      %dma_start3A_61 = tpu.memref_slice %arg5[%dma_start3A_59, %dma_start3A_60] : memref<16x64xf32, #tpu.memory_space<hbm>> -> memref<1x64xf32, #tpu.memory_space<hbm>>
      %dma_start3A_62 = arith.constant 0 : i32
      %dma_start3A_63 = tpu.memref_slice %arg3[%squeeze3A_58, %dma_start3A_62] : memref<256x64xf32, #tpu.memory_space<hbm>> -> memref<1x64xf32, #tpu.memory_space<hbm>>
      tpu.enqueue_dma source(%dma_start3A_63 : memref<1x64xf32, #tpu.memory_space<hbm>>) target(%dma_start3A_61 : memref<1x64xf32, #tpu.memory_space<hbm>>) target_semaphore(%arg10 : memref<!tpu.dma_semaphore, #tpu.memory_space<semaphore_mem>>)
      %slice3A_64 = vector.extract_strided_slice %select_n3A {offsets = [4], sizes = [1], strides = [1]} : vector<16xi32> to vector<1xi32>
      %squeeze3A_65 = vector.extract %slice3A_64[0] : i32 from vector<1xi32>
      %dma_start3A_66 = arith.constant 4 : i32
      %dma_start3A_67 = arith.constant 0 : i32
      %dma_start3A_68 = tpu.memref_slice %arg5[%dma_start3A_66, %dma_start3A_67] : memref<16x64xf32, #tpu.memory_space<hbm>> -> memref<1x64xf32, #tpu.memory_space<hbm>>
      %dma_start3A_69 = arith.constant 0 : i32
      %dma_start3A_70 = tpu.memref_slice %arg3[%squeeze3A_65, %dma_start3A_69] : memref<256x64xf32, #tpu.memory_space<hbm>> -> memref<1x64xf32, #tpu.memory_space<hbm>>
      tpu.enqueue_dma source(%dma_start3A_70 : memref<1x64xf32, #tpu.memory_space<hbm>>) target(%dma_start3A_68 : memref<1x64xf32, #tpu.memory_space<hbm>>) target_semaphore(%arg10 : memref<!tpu.dma_semaphore, #tpu.memory_space<semaphore_mem>>)
      %slice3A_71 = vector.extract_strided_slice %select_n3A {offsets = [5], sizes = [1], strides = [1]} : vector<16xi32> to vector<1xi32>
      %squeeze3A_72 = vector.extract %slice3A_71[0] : i32 from vector<1xi32>
      %dma_start3A_73 = arith.constant 5 : i32
      %dma_start3A_74 = arith.constant 0 : i32
      %dma_start3A_75 = tpu.memref_slice %arg5[%dma_start3A_73, %dma_start3A_74] : memref<16x64xf32, #tpu.memory_space<hbm>> -> memref<1x64xf32, #tpu.memory_space<hbm>>
      %dma_start3A_76 = arith.constant 0 : i32
      %dma_start3A_77 = tpu.memref_slice %arg3[%squeeze3A_72, %dma_start3A_76] : memref<256x64xf32, #tpu.memory_space<hbm>> -> memref<1x64xf32, #tpu.memory_space<hbm>>
      tpu.enqueue_dma source(%dma_start3A_77 : memref<1x64xf32, #tpu.memory_space<hbm>>) target(%dma_start3A_75 : memref<1x64xf32, #tpu.memory_space<hbm>>) target_semaphore(%arg10 : memref<!tpu.dma_semaphore, #tpu.memory_space<semaphore_mem>>)
      %slice3A_78 = vector.extract_strided_slice %select_n3A {offsets = [6], sizes = [1], strides = [1]} : vector<16xi32> to vector<1xi32>
      %squeeze3A_79 = vector.extract %slice3A_78[0] : i32 from vector<1xi32>
      %dma_start3A_80 = arith.constant 6 : i32
      %dma_start3A_81 = arith.constant 0 : i32
      %dma_start3A_82 = tpu.memref_slice %arg5[%dma_start3A_80, %dma_start3A_81] : memref<16x64xf32, #tpu.memory_space<hbm>> -> memref<1x64xf32, #tpu.memory_space<hbm>>
      %dma_start3A_83 = arith.constant 0 : i32
      %dma_start3A_84 = tpu.memref_slice %arg3[%squeeze3A_79, %dma_start3A_83] : memref<256x64xf32, #tpu.memory_space<hbm>> -> memref<1x64xf32, #tpu.memory_space<hbm>>
      tpu.enqueue_dma source(%dma_start3A_84 : memref<1x64xf32, #tpu.memory_space<hbm>>) target(%dma_start3A_82 : memref<1x64xf32, #tpu.memory_space<hbm>>) target_semaphore(%arg10 : memref<!tpu.dma_semaphore, #tpu.memory_space<semaphore_mem>>)
      %slice3A_85 = vector.extract_strided_slice %select_n3A {offsets = [7], sizes = [1], strides = [1]} : vector<16xi32> to vector<1xi32>
      %squeeze3A_86 = vector.extract %slice3A_85[0] : i32 from vector<1xi32>
      %dma_start3A_87 = arith.constant 7 : i32
      %dma_start3A_88 = arith.constant 0 : i32
      %dma_start3A_89 = tpu.memref_slice %arg5[%dma_start3A_87, %dma_start3A_88] : memref<16x64xf32, #tpu.memory_space<hbm>> -> memref<1x64xf32, #tpu.memory_space<hbm>>
      %dma_start3A_90 = arith.constant 0 : i32
      %dma_start3A_91 = tpu.memref_slice %arg3[%squeeze3A_86, %dma_start3A_90] : memref<256x64xf32, #tpu.memory_space<hbm>> -> memref<1x64xf32, #tpu.memory_space<hbm>>
      tpu.enqueue_dma source(%dma_start3A_91 : memref<1x64xf32, #tpu.memory_space<hbm>>) target(%dma_start3A_89 : memref<1x64xf32, #tpu.memory_space<hbm>>) target_semaphore(%arg10 : memref<!tpu.dma_semaphore, #tpu.memory_space<semaphore_mem>>)
      %slice3A_92 = vector.extract_strided_slice %select_n3A {offsets = [8], sizes = [1], strides = [1]} : vector<16xi32> to vector<1xi32>
      %squeeze3A_93 = vector.extract %slice3A_92[0] : i32 from vector<1xi32>
      %dma_start3A_94 = arith.constant 8 : i32
      %dma_start3A_95 = arith.constant 0 : i32
      %dma_start3A_96 = tpu.memref_slice %arg5[%dma_start3A_94, %dma_start3A_95] : memref<16x64xf32, #tpu.memory_space<hbm>> -> memref<1x64xf32, #tpu.memory_space<hbm>>
      %dma_start3A_97 = arith.constant 0 : i32
      %dma_start3A_98 = tpu.memref_slice %arg3[%squeeze3A_93, %dma_start3A_97] : memref<256x64xf32, #tpu.memory_space<hbm>> -> memref<1x64xf32, #tpu.memory_space<hbm>>
      tpu.enqueue_dma source(%dma_start3A_98 : memref<1x64xf32, #tpu.memory_space<hbm>>) target(%dma_start3A_96 : memref<1x64xf32, #tpu.memory_space<hbm>>) target_semaphore(%arg10 : memref<!tpu.dma_semaphore, #tpu.memory_space<semaphore_mem>>)
      %slice3A_99 = vector.extract_strided_slice %select_n3A {offsets = [9], sizes = [1], strides = [1]} : vector<16xi32> to vector<1xi32>
      %squeeze3A_100 = vector.extract %slice3A_99[0] : i32 from vector<1xi32>
      %dma_start3A_101 = arith.constant 9 : i32
      %dma_start3A_102 = arith.constant 0 : i32
      %dma_start3A_103 = tpu.memref_slice %arg5[%dma_start3A_101, %dma_start3A_102] : memref<16x64xf32, #tpu.memory_space<hbm>> -> memref<1x64xf32, #tpu.memory_space<hbm>>
      %dma_start3A_104 = arith.constant 0 : i32
      %dma_start3A_105 = tpu.memref_slice %arg3[%squeeze3A_100, %dma_start3A_104] : memref<256x64xf32, #tpu.memory_space<hbm>> -> memref<1x64xf32, #tpu.memory_space<hbm>>
      tpu.enqueue_dma source(%dma_start3A_105 : memref<1x64xf32, #tpu.memory_space<hbm>>) target(%dma_start3A_103 : memref<1x64xf32, #tpu.memory_space<hbm>>) target_semaphore(%arg10 : memref<!tpu.dma_semaphore, #tpu.memory_space<semaphore_mem>>)
      %slice3A_106 = vector.extract_strided_slice %select_n3A {offsets = [10], sizes = [1], strides = [1]} : vector<16xi32> to vector<1xi32>
      %squeeze3A_107 = vector.extract %slice3A_106[0] : i32 from vector<1xi32>
      %dma_start3A_108 = arith.constant 10 : i32
      %dma_start3A_109 = arith.constant 0 : i32
      %dma_start3A_110 = tpu.memref_slice %arg5[%dma_start3A_108, %dma_start3A_109] : memref<16x64xf32, #tpu.memory_space<hbm>> -> memref<1x64xf32, #tpu.memory_space<hbm>>
      %dma_start3A_111 = arith.constant 0 : i32
      %dma_start3A_112 = tpu.memref_slice %arg3[%squeeze3A_107, %dma_start3A_111] : memref<256x64xf32, #tpu.memory_space<hbm>> -> memref<1x64xf32, #tpu.memory_space<hbm>>
      tpu.enqueue_dma source(%dma_start3A_112 : memref<1x64xf32, #tpu.memory_space<hbm>>) target(%dma_start3A_110 : memref<1x64xf32, #tpu.memory_space<hbm>>) target_semaphore(%arg10 : memref<!tpu.dma_semaphore, #tpu.memory_space<semaphore_mem>>)
      %slice3A_113 = vector.extract_strided_slice %select_n3A {offsets = [11], sizes = [1], strides = [1]} : vector<16xi32> to vector<1xi32>
      %squeeze3A_114 = vector.extract %slice3A_113[0] : i32 from vector<1xi32>
      %dma_start3A_115 = arith.constant 11 : i32
      %dma_start3A_116 = arith.constant 0 : i32
      %dma_start3A_117 = tpu.memref_slice %arg5[%dma_start3A_115, %dma_start3A_116] : memref<16x64xf32, #tpu.memory_space<hbm>> -> memref<1x64xf32, #tpu.memory_space<hbm>>
      %dma_start3A_118 = arith.constant 0 : i32
      %dma_start3A_119 = tpu.memref_slice %arg3[%squeeze3A_114, %dma_start3A_118] : memref<256x64xf32, #tpu.memory_space<hbm>> -> memref<1x64xf32, #tpu.memory_space<hbm>>
      tpu.enqueue_dma source(%dma_start3A_119 : memref<1x64xf32, #tpu.memory_space<hbm>>) target(%dma_start3A_117 : memref<1x64xf32, #tpu.memory_space<hbm>>) target_semaphore(%arg10 : memref<!tpu.dma_semaphore, #tpu.memory_space<semaphore_mem>>)
      %slice3A_120 = vector.extract_strided_slice %select_n3A {offsets = [12], sizes = [1], strides = [1]} : vector<16xi32> to vector<1xi32>
      %squeeze3A_121 = vector.extract %slice3A_120[0] : i32 from vector<1xi32>
      %dma_start3A_122 = arith.constant 12 : i32
      %dma_start3A_123 = arith.constant 0 : i32
      %dma_start3A_124 = tpu.memref_slice %arg5[%dma_start3A_122, %dma_start3A_123] : memref<16x64xf32, #tpu.memory_space<hbm>> -> memref<1x64xf32, #tpu.memory_space<hbm>>
      %dma_start3A_125 = arith.constant 0 : i32
      %dma_start3A_126 = tpu.memref_slice %arg3[%squeeze3A_121, %dma_start3A_125] : memref<256x64xf32, #tpu.memory_space<hbm>> -> memref<1x64xf32, #tpu.memory_space<hbm>>
      tpu.enqueue_dma source(%dma_start3A_126 : memref<1x64xf32, #tpu.memory_space<hbm>>) target(%dma_start3A_124 : memref<1x64xf32, #tpu.memory_space<hbm>>) target_semaphore(%arg10 : memref<!tpu.dma_semaphore, #tpu.memory_space<semaphore_mem>>)
      %slice3A_127 = vector.extract_strided_slice %select_n3A {offsets = [13], sizes = [1], strides = [1]} : vector<16xi32> to vector<1xi32>
      %squeeze3A_128 = vector.extract %slice3A_127[0] : i32 from vector<1xi32>
      %dma_start3A_129 = arith.constant 13 : i32
      %dma_start3A_130 = arith.constant 0 : i32
      %dma_start3A_131 = tpu.memref_slice %arg5[%dma_start3A_129, %dma_start3A_130] : memref<16x64xf32, #tpu.memory_space<hbm>> -> memref<1x64xf32, #tpu.memory_space<hbm>>
      %dma_start3A_132 = arith.constant 0 : i32
      %dma_start3A_133 = tpu.memref_slice %arg3[%squeeze3A_128, %dma_start3A_132] : memref<256x64xf32, #tpu.memory_space<hbm>> -> memref<1x64xf32, #tpu.memory_space<hbm>>
      tpu.enqueue_dma source(%dma_start3A_133 : memref<1x64xf32, #tpu.memory_space<hbm>>) target(%dma_start3A_131 : memref<1x64xf32, #tpu.memory_space<hbm>>) target_semaphore(%arg10 : memref<!tpu.dma_semaphore, #tpu.memory_space<semaphore_mem>>)
      %slice3A_134 = vector.extract_strided_slice %select_n3A {offsets = [14], sizes = [1], strides = [1]} : vector<16xi32> to vector<1xi32>
      %squeeze3A_135 = vector.extract %slice3A_134[0] : i32 from vector<1xi32>
      %dma_start3A_136 = arith.constant 14 : i32
      %dma_start3A_137 = arith.constant 0 : i32
      %dma_start3A_138 = tpu.memref_slice %arg5[%dma_start3A_136, %dma_start3A_137] : memref<16x64xf32, #tpu.memory_space<hbm>> -> memref<1x64xf32, #tpu.memory_space<hbm>>
      %dma_start3A_139 = arith.constant 0 : i32
      %dma_start3A_140 = tpu.memref_slice %arg3[%squeeze3A_135, %dma_start3A_139] : memref<256x64xf32, #tpu.memory_space<hbm>> -> memref<1x64xf32, #tpu.memory_space<hbm>>
      tpu.enqueue_dma source(%dma_start3A_140 : memref<1x64xf32, #tpu.memory_space<hbm>>) target(%dma_start3A_138 : memref<1x64xf32, #tpu.memory_space<hbm>>) target_semaphore(%arg10 : memref<!tpu.dma_semaphore, #tpu.memory_space<semaphore_mem>>)
      %slice3A_141 = vector.extract_strided_slice %select_n3A {offsets = [15], sizes = [1], strides = [1]} : vector<16xi32> to vector<1xi32>
      %squeeze3A_142 = vector.extract %slice3A_141[0] : i32 from vector<1xi32>
      %dma_start3A_143 = arith.constant 15 : i32
      %dma_start3A_144 = arith.constant 0 : i32
      %dma_start3A_145 = tpu.memref_slice %arg5[%dma_start3A_143, %dma_start3A_144] : memref<16x64xf32, #tpu.memory_space<hbm>> -> memref<1x64xf32, #tpu.memory_space<hbm>>
      %dma_start3A_146 = arith.constant 0 : i32
      %dma_start3A_147 = tpu.memref_slice %arg3[%squeeze3A_142, %dma_start3A_146] : memref<256x64xf32, #tpu.memory_space<hbm>> -> memref<1x64xf32, #tpu.memory_space<hbm>>
      tpu.enqueue_dma source(%dma_start3A_147 : memref<1x64xf32, #tpu.memory_space<hbm>>) target(%dma_start3A_145 : memref<1x64xf32, #tpu.memory_space<hbm>>) target_semaphore(%arg10 : memref<!tpu.dma_semaphore, #tpu.memory_space<semaphore_mem>>)
      %dma_wait3A = arith.constant 0 : i32
      %dma_wait3A_148 = tpu.memref_slice %arg4[%dma_wait3A] : memref<256xf32, #tpu.memory_space<hbm>> -> memref<256xf32, #tpu.memory_space<hbm>>
      tpu.wait_indirect_dma semaphore(%arg11 : memref<!tpu.dma_semaphore, #tpu.memory_space<semaphore_mem>>) src(%dma_wait3A_148 : memref<256xf32, #tpu.memory_space<hbm>>) dst(%arg8 : memref<16xf32, #tpu.memory_space<vmem>>)
      %swap3A = arith.constant 0 : i32
      %swap3A_149 = arith.index_cast %swap3A : i32 to index
      %swap3A_150 = arith.constant 0 : index
      %swap3A_151 = tpu.vector_load %arg9[%swap3A_149, %swap3A_150] {strides = array<i32>} : memref<2x16xf32, #tpu.memory_space<vmem>>, vector<1x16xf32>,
      %swap3A_152 = vector.shape_cast %swap3A_151 : vector<1x16xf32> to vector<16xf32>
      %swap3A_153 = vector.shape_cast %select_n3A_29 : vector<16xf32> to vector<1x16xf32>
      tpu.vector_store %arg9[%swap3A_149, %swap3A_150], %swap3A_153 {strides = array<i32>} : memref<2x16xf32, #tpu.memory_space<vmem>>, vector<1x16xf32>,
      %get3A_154 = arith.constant 0 : index
      %get3A_155 = tpu.vector_load %arg8[%get3A_154] {strides = array<i32>} : memref<16xf32, #tpu.memory_space<vmem>>, vector<16xf32>,
      %get3A_156 = vector.shape_cast %get3A_155 : vector<16xf32> to vector<16xf32>
      %mul3A_157 = arith.mulf %select_n3A_29, %get3A_156 : vector<16xf32>
      %add3A_158 = arith.addf %mul3A_157, %select_n3A_34 : vector<16xf32>
      %swap3A_159 = arith.constant 1 : i32
      %swap3A_160 = arith.index_cast %swap3A_159 : i32 to index
      %swap3A_161 = arith.constant 0 : index
      %swap3A_162 = tpu.vector_load %arg9[%swap3A_160, %swap3A_161] {strides = array<i32>} : memref<2x16xf32, #tpu.memory_space<vmem>>, vector<1x16xf32>,
      %swap3A_163 = vector.shape_cast %swap3A_162 : vector<1x16xf32> to vector<16xf32>
      %swap3A_164 = vector.shape_cast %add3A_158 : vector<16xf32> to vector<1x16xf32>
      tpu.vector_store %arg9[%swap3A_160, %swap3A_161], %swap3A_164 {strides = array<i32>} : memref<2x16xf32, #tpu.memory_space<vmem>>, vector<1x16xf32>,
      "tpu.region"() ({
        %run_scoped3A = tpu.sem_alloc : memref<!tpu.dma_semaphore, #tpu.memory_space<semaphore_mem>>
        tpu.enqueue_dma source(%arg9 : memref<2x16xf32, #tpu.memory_space<vmem>>) target(%arg6 : memref<2x16xf32, #tpu.memory_space<hbm>>) target_semaphore(%run_scoped3A : memref<!tpu.dma_semaphore, #tpu.memory_space<semaphore_mem>>)
        tpu.wait_dma2 semaphore(%run_scoped3A : memref<!tpu.dma_semaphore, #tpu.memory_space<semaphore_mem>>) src(%arg9 : memref<2x16xf32, #tpu.memory_space<vmem>>) dst(%arg6 : memref<2x16xf32, #tpu.memory_space<hbm>>)
        tpu.yield
      }) : () -> ()
      %dma_wait3A_165 = arith.constant 0 : i32
      %dma_wait3A_166 = arith.constant 0 : i32
      %dma_wait3A_167 = tpu.memref_slice %arg5[%dma_wait3A_165, %dma_wait3A_166] : memref<16x64xf32, #tpu.memory_space<hbm>> -> memref<1x64xf32, #tpu.memory_space<hbm>>
      %dma_wait3A_168 = arith.constant 0 : i32
      %dma_wait3A_169 = tpu.memref_slice %arg3[%squeeze3A_37, %dma_wait3A_168] : memref<256x64xf32, #tpu.memory_space<hbm>> -> memref<1x64xf32, #tpu.memory_space<hbm>>
      tpu.wait_dma2 semaphore(%arg10 : memref<!tpu.dma_semaphore, #tpu.memory_space<semaphore_mem>>) src(%dma_wait3A_169 : memref<1x64xf32, #tpu.memory_space<hbm>>) dst(%dma_wait3A_167 : memref<1x64xf32, #tpu.memory_space<hbm>>)
      %dma_wait3A_170 = arith.constant 1 : i32
      %dma_wait3A_171 = arith.constant 0 : i32
      %dma_wait3A_172 = tpu.memref_slice %arg5[%dma_wait3A_170, %dma_wait3A_171] : memref<16x64xf32, #tpu.memory_space<hbm>> -> memref<1x64xf32, #tpu.memory_space<hbm>>
      %dma_wait3A_173 = arith.constant 0 : i32
      %dma_wait3A_174 = tpu.memref_slice %arg3[%squeeze3A_44, %dma_wait3A_173] : memref<256x64xf32, #tpu.memory_space<hbm>> -> memref<1x64xf32, #tpu.memory_space<hbm>>
      tpu.wait_dma2 semaphore(%arg10 : memref<!tpu.dma_semaphore, #tpu.memory_space<semaphore_mem>>) src(%dma_wait3A_174 : memref<1x64xf32, #tpu.memory_space<hbm>>) dst(%dma_wait3A_172 : memref<1x64xf32, #tpu.memory_space<hbm>>)
      %dma_wait3A_175 = arith.constant 2 : i32
      %dma_wait3A_176 = arith.constant 0 : i32
      %dma_wait3A_177 = tpu.memref_slice %arg5[%dma_wait3A_175, %dma_wait3A_176] : memref<16x64xf32, #tpu.memory_space<hbm>> -> memref<1x64xf32, #tpu.memory_space<hbm>>
      %dma_wait3A_178 = arith.constant 0 : i32
      %dma_wait3A_179 = tpu.memref_slice %arg3[%squeeze3A_51, %dma_wait3A_178] : memref<256x64xf32, #tpu.memory_space<hbm>> -> memref<1x64xf32, #tpu.memory_space<hbm>>
      tpu.wait_dma2 semaphore(%arg10 : memref<!tpu.dma_semaphore, #tpu.memory_space<semaphore_mem>>) src(%dma_wait3A_179 : memref<1x64xf32, #tpu.memory_space<hbm>>) dst(%dma_wait3A_177 : memref<1x64xf32, #tpu.memory_space<hbm>>)
      %dma_wait3A_180 = arith.constant 3 : i32
      %dma_wait3A_181 = arith.constant 0 : i32
      %dma_wait3A_182 = tpu.memref_slice %arg5[%dma_wait3A_180, %dma_wait3A_181] : memref<16x64xf32, #tpu.memory_space<hbm>> -> memref<1x64xf32, #tpu.memory_space<hbm>>
      %dma_wait3A_183 = arith.constant 0 : i32
      %dma_wait3A_184 = tpu.memref_slice %arg3[%squeeze3A_58, %dma_wait3A_183] : memref<256x64xf32, #tpu.memory_space<hbm>> -> memref<1x64xf32, #tpu.memory_space<hbm>>
      tpu.wait_dma2 semaphore(%arg10 : memref<!tpu.dma_semaphore, #tpu.memory_space<semaphore_mem>>) src(%dma_wait3A_184 : memref<1x64xf32, #tpu.memory_space<hbm>>) dst(%dma_wait3A_182 : memref<1x64xf32, #tpu.memory_space<hbm>>)
      %dma_wait3A_185 = arith.constant 4 : i32
      %dma_wait3A_186 = arith.constant 0 : i32
      %dma_wait3A_187 = tpu.memref_slice %arg5[%dma_wait3A_185, %dma_wait3A_186] : memref<16x64xf32, #tpu.memory_space<hbm>> -> memref<1x64xf32, #tpu.memory_space<hbm>>
      %dma_wait3A_188 = arith.constant 0 : i32
      %dma_wait3A_189 = tpu.memref_slice %arg3[%squeeze3A_65, %dma_wait3A_188] : memref<256x64xf32, #tpu.memory_space<hbm>> -> memref<1x64xf32, #tpu.memory_space<hbm>>
      tpu.wait_dma2 semaphore(%arg10 : memref<!tpu.dma_semaphore, #tpu.memory_space<semaphore_mem>>) src(%dma_wait3A_189 : memref<1x64xf32, #tpu.memory_space<hbm>>) dst(%dma_wait3A_187 : memref<1x64xf32, #tpu.memory_space<hbm>>)
      %dma_wait3A_190 = arith.constant 5 : i32
      %dma_wait3A_191 = arith.constant 0 : i32
      %dma_wait3A_192 = tpu.memref_slice %arg5[%dma_wait3A_190, %dma_wait3A_191] : memref<16x64xf32, #tpu.memory_space<hbm>> -> memref<1x64xf32, #tpu.memory_space<hbm>>
      %dma_wait3A_193 = arith.constant 0 : i32
      %dma_wait3A_194 = tpu.memref_slice %arg3[%squeeze3A_72, %dma_wait3A_193] : memref<256x64xf32, #tpu.memory_space<hbm>> -> memref<1x64xf32, #tpu.memory_space<hbm>>
      tpu.wait_dma2 semaphore(%arg10 : memref<!tpu.dma_semaphore, #tpu.memory_space<semaphore_mem>>) src(%dma_wait3A_194 : memref<1x64xf32, #tpu.memory_space<hbm>>) dst(%dma_wait3A_192 : memref<1x64xf32, #tpu.memory_space<hbm>>)
      %dma_wait3A_195 = arith.constant 6 : i32
      %dma_wait3A_196 = arith.constant 0 : i32
      %dma_wait3A_197 = tpu.memref_slice %arg5[%dma_wait3A_195, %dma_wait3A_196] : memref<16x64xf32, #tpu.memory_space<hbm>> -> memref<1x64xf32, #tpu.memory_space<hbm>>
      %dma_wait3A_198 = arith.constant 0 : i32
      %dma_wait3A_199 = tpu.memref_slice %arg3[%squeeze3A_79, %dma_wait3A_198] : memref<256x64xf32, #tpu.memory_space<hbm>> -> memref<1x64xf32, #tpu.memory_space<hbm>>
      tpu.wait_dma2 semaphore(%arg10 : memref<!tpu.dma_semaphore, #tpu.memory_space<semaphore_mem>>) src(%dma_wait3A_199 : memref<1x64xf32, #tpu.memory_space<hbm>>) dst(%dma_wait3A_197 : memref<1x64xf32, #tpu.memory_space<hbm>>)
      %dma_wait3A_200 = arith.constant 7 : i32
      %dma_wait3A_201 = arith.constant 0 : i32
      %dma_wait3A_202 = tpu.memref_slice %arg5[%dma_wait3A_200, %dma_wait3A_201] : memref<16x64xf32, #tpu.memory_space<hbm>> -> memref<1x64xf32, #tpu.memory_space<hbm>>
      %dma_wait3A_203 = arith.constant 0 : i32
      %dma_wait3A_204 = tpu.memref_slice %arg3[%squeeze3A_86, %dma_wait3A_203] : memref<256x64xf32, #tpu.memory_space<hbm>> -> memref<1x64xf32, #tpu.memory_space<hbm>>
      tpu.wait_dma2 semaphore(%arg10 : memref<!tpu.dma_semaphore, #tpu.memory_space<semaphore_mem>>) src(%dma_wait3A_204 : memref<1x64xf32, #tpu.memory_space<hbm>>) dst(%dma_wait3A_202 : memref<1x64xf32, #tpu.memory_space<hbm>>)
      %dma_wait3A_205 = arith.constant 8 : i32
      %dma_wait3A_206 = arith.constant 0 : i32
      %dma_wait3A_207 = tpu.memref_slice %arg5[%dma_wait3A_205, %dma_wait3A_206] : memref<16x64xf32, #tpu.memory_space<hbm>> -> memref<1x64xf32, #tpu.memory_space<hbm>>
      %dma_wait3A_208 = arith.constant 0 : i32
      %dma_wait3A_209 = tpu.memref_slice %arg3[%squeeze3A_93, %dma_wait3A_208] : memref<256x64xf32, #tpu.memory_space<hbm>> -> memref<1x64xf32, #tpu.memory_space<hbm>>
      tpu.wait_dma2 semaphore(%arg10 : memref<!tpu.dma_semaphore, #tpu.memory_space<semaphore_mem>>) src(%dma_wait3A_209 : memref<1x64xf32, #tpu.memory_space<hbm>>) dst(%dma_wait3A_207 : memref<1x64xf32, #tpu.memory_space<hbm>>)
      %dma_wait3A_210 = arith.constant 9 : i32
      %dma_wait3A_211 = arith.constant 0 : i32
      %dma_wait3A_212 = tpu.memref_slice %arg5[%dma_wait3A_210, %dma_wait3A_211] : memref<16x64xf32, #tpu.memory_space<hbm>> -> memref<1x64xf32, #tpu.memory_space<hbm>>
      %dma_wait3A_213 = arith.constant 0 : i32
      %dma_wait3A_214 = tpu.memref_slice %arg3[%squeeze3A_100, %dma_wait3A_213] : memref<256x64xf32, #tpu.memory_space<hbm>> -> memref<1x64xf32, #tpu.memory_space<hbm>>
      tpu.wait_dma2 semaphore(%arg10 : memref<!tpu.dma_semaphore, #tpu.memory_space<semaphore_mem>>) src(%dma_wait3A_214 : memref<1x64xf32, #tpu.memory_space<hbm>>) dst(%dma_wait3A_212 : memref<1x64xf32, #tpu.memory_space<hbm>>)
      %dma_wait3A_215 = arith.constant 10 : i32
      %dma_wait3A_216 = arith.constant 0 : i32
      %dma_wait3A_217 = tpu.memref_slice %arg5[%dma_wait3A_215, %dma_wait3A_216] : memref<16x64xf32, #tpu.memory_space<hbm>> -> memref<1x64xf32, #tpu.memory_space<hbm>>
      %dma_wait3A_218 = arith.constant 0 : i32
      %dma_wait3A_219 = tpu.memref_slice %arg3[%squeeze3A_107, %dma_wait3A_218] : memref<256x64xf32, #tpu.memory_space<hbm>> -> memref<1x64xf32, #tpu.memory_space<hbm>>
      tpu.wait_dma2 semaphore(%arg10 : memref<!tpu.dma_semaphore, #tpu.memory_space<semaphore_mem>>) src(%dma_wait3A_219 : memref<1x64xf32, #tpu.memory_space<hbm>>) dst(%dma_wait3A_217 : memref<1x64xf32, #tpu.memory_space<hbm>>)
      %dma_wait3A_220 = arith.constant 11 : i32
      %dma_wait3A_221 = arith.constant 0 : i32
      %dma_wait3A_222 = tpu.memref_slice %arg5[%dma_wait3A_220, %dma_wait3A_221] : memref<16x64xf32, #tpu.memory_space<hbm>> -> memref<1x64xf32, #tpu.memory_space<hbm>>
      %dma_wait3A_223 = arith.constant 0 : i32
      %dma_wait3A_224 = tpu.memref_slice %arg3[%squeeze3A_114, %dma_wait3A_223] : memref<256x64xf32, #tpu.memory_space<hbm>> -> memref<1x64xf32, #tpu.memory_space<hbm>>
      tpu.wait_dma2 semaphore(%arg10 : memref<!tpu.dma_semaphore, #tpu.memory_space<semaphore_mem>>) src(%dma_wait3A_224 : memref<1x64xf32, #tpu.memory_space<hbm>>) dst(%dma_wait3A_222 : memref<1x64xf32, #tpu.memory_space<hbm>>)
      %dma_wait3A_225 = arith.constant 12 : i32
      %dma_wait3A_226 = arith.constant 0 : i32
      %dma_wait3A_227 = tpu.memref_slice %arg5[%dma_wait3A_225, %dma_wait3A_226] : memref<16x64xf32, #tpu.memory_space<hbm>> -> memref<1x64xf32, #tpu.memory_space<hbm>>
      %dma_wait3A_228 = arith.constant 0 : i32
      %dma_wait3A_229 = tpu.memref_slice %arg3[%squeeze3A_121, %dma_wait3A_228] : memref<256x64xf32, #tpu.memory_space<hbm>> -> memref<1x64xf32, #tpu.memory_space<hbm>>
      tpu.wait_dma2 semaphore(%arg10 : memref<!tpu.dma_semaphore, #tpu.memory_space<semaphore_mem>>) src(%dma_wait3A_229 : memref<1x64xf32, #tpu.memory_space<hbm>>) dst(%dma_wait3A_227 : memref<1x64xf32, #tpu.memory_space<hbm>>)
      %dma_wait3A_230 = arith.constant 13 : i32
      %dma_wait3A_231 = arith.constant 0 : i32
      %dma_wait3A_232 = tpu.memref_slice %arg5[%dma_wait3A_230, %dma_wait3A_231] : memref<16x64xf32, #tpu.memory_space<hbm>> -> memref<1x64xf32, #tpu.memory_space<hbm>>
      %dma_wait3A_233 = arith.constant 0 : i32
      %dma_wait3A_234 = tpu.memref_slice %arg3[%squeeze3A_128, %dma_wait3A_233] : memref<256x64xf32, #tpu.memory_space<hbm>> -> memref<1x64xf32, #tpu.memory_space<hbm>>
      tpu.wait_dma2 semaphore(%arg10 : memref<!tpu.dma_semaphore, #tpu.memory_space<semaphore_mem>>) src(%dma_wait3A_234 : memref<1x64xf32, #tpu.memory_space<hbm>>) dst(%dma_wait3A_232 : memref<1x64xf32, #tpu.memory_space<hbm>>)
      %dma_wait3A_235 = arith.constant 14 : i32
      %dma_wait3A_236 = arith.constant 0 : i32
      %dma_wait3A_237 = tpu.memref_slice %arg5[%dma_wait3A_235, %dma_wait3A_236] : memref<16x64xf32, #tpu.memory_space<hbm>> -> memref<1x64xf32, #tpu.memory_space<hbm>>
      %dma_wait3A_238 = arith.constant 0 : i32
      %dma_wait3A_239 = tpu.memref_slice %arg3[%squeeze3A_135, %dma_wait3A_238] : memref<256x64xf32, #tpu.memory_space<hbm>> -> memref<1x64xf32, #tpu.memory_space<hbm>>
      tpu.wait_dma2 semaphore(%arg10 : memref<!tpu.dma_semaphore, #tpu.memory_space<semaphore_mem>>) src(%dma_wait3A_239 : memref<1x64xf32, #tpu.memory_space<hbm>>) dst(%dma_wait3A_237 : memref<1x64xf32, #tpu.memory_space<hbm>>)
      %dma_wait3A_240 = arith.constant 15 : i32
      %dma_wait3A_241 = arith.constant 0 : i32
      %dma_wait3A_242 = tpu.memref_slice %arg5[%dma_wait3A_240, %dma_wait3A_241] : memref<16x64xf32, #tpu.memory_space<hbm>> -> memref<1x64xf32, #tpu.memory_space<hbm>>
      %dma_wait3A_243 = arith.constant 0 : i32
      %dma_wait3A_244 = tpu.memref_slice %arg3[%squeeze3A_142, %dma_wait3A_243] : memref<256x64xf32, #tpu.memory_space<hbm>> -> memref<1x64xf32, #tpu.memory_space<hbm>>
      tpu.wait_dma2 semaphore(%arg10 : memref<!tpu.dma_semaphore, #tpu.memory_space<semaphore_mem>>) src(%dma_wait3A_244 : memref<1x64xf32, #tpu.memory_space<hbm>>) dst(%dma_wait3A_242 : memref<1x64xf32, #tpu.memory_space<hbm>>)
    } else {
    }
    return
  }
}

module attributes {stable_mosaic.version = 14 : i64} {
  func.func @_tc_dense_body(%arg0: i32, %arg1: memref<8192x64xf32, #tpu.memory_space<vmem>>, %arg2: memref<16x64xf32, #tpu.memory_space<vmem>>, %arg3: memref<2x16xf32, #tpu.memory_space<vmem>>, %arg4: memref<64x128xf32, #tpu.memory_space<vmem>>) attributes {dimension_semantics = [#tpu.dimension_semantics<arbitrary>], iteration_bounds = array<i64: 2>, scalar_prefetch = 0 : i64, scratch_operands = 0 : i64, tpu.core_type = #tpu.core_type<tc>, window_params = [{transform_indices = @transform_0, window_bounds = array<i64: 8192, 64>}, {pipeline_mode = #tpu.pipeline_mode<synchronous>, transform_indices = @transform_1, window_bounds = array<i64: 16, 64>}, {pipeline_mode = #tpu.pipeline_mode<synchronous>, transform_indices = @transform_2, window_bounds = array<i64: 2, 16>}, {transform_indices = @transform_3, window_bounds = array<i64: 64, 128>}]} {
    %get3A = arith.constant 0 : index
    %get3A_0 = arith.constant 0 : index
    %get3A_1 = vector.load %arg2[%get3A, %get3A_0] : memref<16x64xf32, #tpu.memory_space<vmem>>, vector<16x64xf32>
    %get3A_2 = arith.constant 0 : index
    %get3A_3 = arith.constant 0 : index
    %get3A_4 = vector.load %arg1[%get3A_2, %get3A_3] : memref<8192x64xf32, #tpu.memory_space<vmem>>, vector<8192x64xf32>
    %dot_general3A = arith.constant dense<0.000000e+00> : vector<16x8192xf32>
    %dot_general3A_5 = tpu.matmul %get3A_1, %get3A_4, %dot_general3A {dimension_numbers = #tpu.dot_dimension_numbers<[1], [1], [0], [0], [0, 0, 1, 0], [], []>, transpose_lhs_hint = false} : vector<16x64xf32>, vector<8192x64xf32>, vector<16x8192xf32> -> vector<16x8192xf32>
    %get3A_6 = arith.constant 0 : index
    %get3A_7 = arith.constant 0 : index
    %get3A_8 = vector.load %arg3[%get3A_6, %get3A_7] : memref<2x16xf32, #tpu.memory_space<vmem>>, vector<2x16xf32>
    %transpose3A = tpu.transpose %get3A_8, [1, 0] : vector<2x16xf32> -> vector<16x2xf32>
    %slice3A = vector.extract_strided_slice %transpose3A {offsets = [0, 0], sizes = [16, 1], strides = [1, 1]} : vector<16x2xf32> to vector<16x1xf32>
    %mul3A = vector.broadcast %slice3A : vector<16x1xf32> to vector<16x8192xf32>
    %mul3A_9 = arith.mulf %mul3A, %dot_general3A_5 : vector<16x8192xf32>
    %slice3A_10 = vector.extract_strided_slice %transpose3A {offsets = [0, 1], sizes = [16, 1], strides = [1, 1]} : vector<16x2xf32> to vector<16x1xf32>
    %add3A = vector.broadcast %slice3A_10 : vector<16x1xf32> to vector<16x8192xf32>
    %add3A_11 = arith.addf %mul3A_9, %add3A : vector<16x8192xf32>
    %logistic3A = arith.negf %add3A_11 : vector<16x8192xf32>
    %logistic3A_12 = math.exp %logistic3A : vector<16x8192xf32>
    %logistic3A_13 = arith.constant 1.000000e+00 : f32
    %logistic3A_14 = vector.broadcast %logistic3A_13 : f32 to vector<16x8192xf32>
    %logistic3A_15 = arith.addf %logistic3A_14, %logistic3A_12 : vector<16x8192xf32>
    %logistic3A_16 = arith.divf %logistic3A_14, %logistic3A_15 : vector<16x8192xf32>
    %slice3A_17 = vector.extract_strided_slice %logistic3A_16 {offsets = [0, 0], sizes = [8, 8192], strides = [1, 1]} : vector<16x8192xf32> to vector<8x8192xf32>
    %slice3A_18 = vector.extract_strided_slice %logistic3A_16 {offsets = [8, 0], sizes = [8, 8192], strides = [1, 1]} : vector<16x8192xf32> to vector<8x8192xf32>
    %mul3A_19 = arith.mulf %slice3A_17, %slice3A_18 : vector<8x8192xf32>
    %slice3A_20 = vector.extract_strided_slice %mul3A_19 {offsets = [0, 0], sizes = [4, 8192], strides = [1, 1]} : vector<8x8192xf32> to vector<4x8192xf32>
    %slice3A_21 = vector.extract_strided_slice %mul3A_19 {offsets = [4, 0], sizes = [4, 8192], strides = [1, 1]} : vector<8x8192xf32> to vector<4x8192xf32>
    %mul3A_22 = arith.mulf %slice3A_20, %slice3A_21 : vector<4x8192xf32>
    %slice3A_23 = vector.extract_strided_slice %mul3A_22 {offsets = [0, 0], sizes = [2, 8192], strides = [1, 1]} : vector<4x8192xf32> to vector<2x8192xf32>
    %slice3A_24 = vector.extract_strided_slice %mul3A_22 {offsets = [2, 0], sizes = [2, 8192], strides = [1, 1]} : vector<4x8192xf32> to vector<2x8192xf32>
    %mul3A_25 = arith.mulf %slice3A_23, %slice3A_24 : vector<2x8192xf32>
    %slice3A_26 = vector.extract_strided_slice %mul3A_25 {offsets = [0, 0], sizes = [1, 8192], strides = [1, 1]} : vector<2x8192xf32> to vector<1x8192xf32>
    %slice3A_27 = vector.extract_strided_slice %mul3A_25 {offsets = [1, 0], sizes = [1, 8192], strides = [1, 1]} : vector<2x8192xf32> to vector<1x8192xf32>
    %mul3A_28 = arith.mulf %slice3A_26, %slice3A_27 : vector<1x8192xf32>
    %reshape3A = vector.shape_cast %mul3A_28 : vector<1x8192xf32> to vector<64x128xf32>
    %swap3A = arith.constant 0 : index
    %swap3A_29 = arith.constant 0 : index
    %swap3A_30 = vector.load %arg4[%swap3A, %swap3A_29] : memref<64x128xf32, #tpu.memory_space<vmem>>, vector<64x128xf32>
    tpu.vector_store %arg4[%swap3A, %swap3A_29], %reshape3A {strides = array<i32>} : memref<64x128xf32, #tpu.memory_space<vmem>>, vector<64x128xf32>,
    return
  }
  func.func @transform_0(%arg0: i32) -> (i32, i32) {
    %c0_i32 = arith.constant 0 : i32
    %c0_i32_0 = arith.constant 0 : i32
    return %arg0, %c0_i32 : i32, i32
  }
  func.func @transform_1(%arg0: i32) -> (i32, i32) {
    %c0_i32 = arith.constant 0 : i32
    %c0_i32_0 = arith.constant 0 : i32
    %c0_i32_1 = arith.constant 0 : i32
    return %c0_i32, %c0_i32_0 : i32, i32
  }
  func.func @transform_2(%arg0: i32) -> (i32, i32) {
    %c0_i32 = arith.constant 0 : i32
    %c0_i32_0 = arith.constant 0 : i32
    %c0_i32_1 = arith.constant 0 : i32
    return %c0_i32, %c0_i32_0 : i32, i32
  }
  func.func @transform_3(%arg0: i32) -> (i32, i32) {
    %c0_i32 = arith.constant 0 : i32
    %c0_i32_0 = arith.constant 0 : i32
    return %arg0, %c0_i32 : i32, i32
  }
}

</mosaic_0001>

<sc_bundles>
// kernel: kernel.4.cloned.1.call-start
scs
__scs_entry_jumppad:
0x0: {  	(pc) =	sbr.rel $0x88, $3  }
0x1: {  	(tag) =	ssettag $0x0;
	lr =	simm.s32 $0x1  }
0x2: {  	[smem:$0x3F9D] =	sst lr;
	_ =	strace $0xD0000000  }
0x3: {  	_ = 	snop  }
0x4: {  	_ = 	snop  }
0x5: {  	_ = 	snop  }
0x6: {  	_ = 	snop  }
0x7: {  	_ = 	snop  }
__scs_overlays_trampoline_lowered:
0x8: {  	[smem:$0x3FAC] =	sst s0  }
0x9: {  	[smem:$0x3FAD] =	sst s1  }
0xa: {  	[smem:$0x3FAE] =	sst s2  }
0xb: {  	[smem:$0x3FAF] =	sst s3  }
0xc: {  	[smem:$0x3FB0] =	sst s4  }
0xd: {  	[smem:$0x3FB1] =	sst s5  }
0xe: {  	[smem:$0x3FB2] =	sst s6  }
0xf: {  	[smem:$0x3FB3] =	sst s7  }
0x10: {  	[smem:$0x3FB4] =	sst s8  }
0x11: {  	[smem:$0x3FB5] =	sst s9;
	s0 =	simm.s32 @!p0 $0x0  }
0x12: {  	s1 =	sld [smem:$0x3F9B];
	s0 =	simm.s32 @p0 $0x1  }
0x13: {  	[smem:$0x3FB6] =	sst s0;
	s0 =	simm.s32 @!p1 $0x0  }
0x14: {  	s2 =	sld [smem:$0x3F9A];
	s0 =	simm.s32 @p1 $0x1  }
0x15: {  	[smem:$0x3FB7] =	sst s0;
	s0 =	simm.s32 @!p2 $0x0  }
0x16: {  	s3 =	sld [smem:$0x3FDB];
	s0 =	simm.s32 @p2 $0x1  }
0x17: {  	s4 =	simm.s32 $0x1BF5;
	[smem:$0x3FB9] =	sst s0  }
0x18: {  	s0 =	sld [smem:$0x3F9C];
	_ =	swait.ge [sflag:s4], $0x0  }
0x19: {  	s7 =	sld [smem:$0x3F9D]  }
0x1a: {  	s8 =	sadd.s32 $0xFFFFE003, lr  }
0x1b: {  	s9 =	sadd.s32 $0xFFFFFEF7, lr;
	s5 =	simm.s32 $0xFFFFFFFF;
	p2 =	slt.u32 s8, $0xFFFFF086  }
0x1c: {  	p1 =	slt.u32 s9, $0xF7A;
	s5 =	simm.s32 @!p2 $0x0  }
0x1d: {  	s5 =	simm.s32 @p1 $0x1;
	p0 =	seq.s32 s7, s2  }
0x1e: {  	s7 =	smul.u32 @!p0 $0xF7A, s2;
	p2 =	seq.s32 @!p0 s5, $0x0  }
0x1f: {  	s9 =	smul.u32 $0xF7A, s1;
	s8 =	simm.s32 @!p0 $0x1BF5;
	p2 =	por !p2, p0  }
0x20: {  	[sflag:s8] =	ssyncset.s32 @!p0 $0xFFFFF086;
	s6 =	sadd.s32 @!p0 s3, s7;
	s7 =	simm.s32 @!p0 $0x108  }
0x21: {  	s3 =	sadd.s32 s3, s9;
	s6 =	sadd.s32 @!p0 $0x88, s6;
	s7 =	simm.s32 @p2 $0x1082  }
0x22: {  	[simem:s7], [sflag:s8] =	dma.local @!p0 [hbm:s6], $0xF7A  }
0x23: {  	s9 =	sor.u32 $0xD0000000, s2;
	s6 =	simm.s32 $0x108;
	_ =	swait.ge @!p0 [sflag:s8], $0x0  }
0x24: {  	s3 =	sadd.s32 $0x88, s3;
	s6 =	simm.s32 @!p1 $0x1082;
	[sflag:s4] =	ssyncset.s32 $0xFFFFF086  }
0x25: {  	[simem:s6], [sflag:s4] =	dma.local [hbm:s3], $0xF7A  }
0x26: {  	[smem:$0x3F9D] =	sst s1;
	(tag) =	ssettag s2;
	_ =	strace s9  }
0x27: {  	s1 =	sld [smem:$0x3FAD]  }
0x28: {  	s2 =	sld [smem:$0x3FAE]  }
0x29: {  	s4 =	sld [smem:$0x3FB0]  }
0x2a: {  	p0 =	seq.s32 s5, $0x0;
	s5 =	sld [smem:$0x3FB1]  }
0x2b: {  	s6 =	sld [smem:$0x3FB2]  }
0x2c: {  	s7 =	sld [smem:$0x3FB3]  }
0x2d: {  	s3 =	simm.s32 $0x108;
	s8 =	sld [smem:$0x3FB4]  }
0x2e: {  	s3 =	simm.s32 @!p0 $0x1082;
	s9 =	sld [smem:$0x3FB5]  }
0x2f: {  	lr =	sadd.s32 s0, s3;
	s0 =	sld [smem:$0x3FAC]  }
0x30: {  	s3 =	sld [smem:$0x3FAF]  }
0x31: {  	[smem:$0x3FB8] =	sst s10  }
0x32: {  	s10 =	sld [smem:$0x3FB6];
	_ =	sdelay $0x3  }
0x33: {  	p0 =	seq.s32 s10, $0x1;
	s10 =	sld [smem:$0x3FB8];
	_ =	sdelay $0x3  }
0x34: {  	[smem:$0x3FB8] =	sst s10  }
0x35: {  	s10 =	sld [smem:$0x3FB7];
	_ =	sdelay $0x3  }
0x36: {  	p1 =	seq.s32 s10, $0x1;
	s10 =	sld [smem:$0x3FB8];
	_ =	sdelay $0x3  }
0x37: {  	[smem:$0x3FB8] =	sst s10  }
0x38: {  	s10 =	sld [smem:$0x3FB9]  }
0x39: {  	_ = 	snop;
	(pc) =	sbr.ind lr, $3  }
0x3a: {  	_ = 	snop  }
0x3b: {  	_ = 	snop  }
0x3c: {  	p2 =	seq.s32 s10, $0x1;
	s10 =	sld [smem:$0x3FB8]  }
0x3d: {  	_ =	shalt  }
0x3e: {  	_ =	shalt  }
0x3f: {  	_ =	shalt  }
0x40: {  	_ =	shalt  }
0x41: {  	_ =	shalt  }
0x42: {  	_ =	shalt  }
0x43: {  	_ =	shalt  }
0x44: {  	_ =	shalt  }
0x45: {  	_ =	shalt  }
0x46: {  	_ =	shalt  }
0x47: {  	_ =	shalt  }
0x48: {  	_ =	shalt  }
0x49: {  	_ =	shalt  }
0x4a: {  	_ =	shalt  }
0x4b: {  	_ =	shalt  }
0x4c: {  	_ =	shalt  }
0x4d: {  	_ =	shalt  }
0x4e: {  	_ =	shalt  }
0x4f: {  	_ =	shalt  }
0x50: {  	_ =	shalt  }
0x51: {  	_ =	shalt  }
0x52: {  	_ =	shalt  }
0x53: {  	_ =	shalt  }
0x54: {  	_ =	shalt  }
0x55: {  	_ =	shalt  }
0x56: {  	_ =	shalt  }
0x57: {  	_ =	shalt  }
0x58: {  	_ =	shalt  }
0x59: {  	_ =	shalt  }
0x5a: {  	_ =	shalt  }
0x5b: {  	_ =	shalt  }
0x5c: {  	_ =	shalt  }
0x5d: {  	_ =	shalt  }
0x5e: {  	_ =	shalt  }
0x5f: {  	_ =	shalt  }
0x60: {  	_ =	shalt  }
0x61: {  	_ =	shalt  }
0x62: {  	_ =	shalt  }
0x63: {  	_ =	shalt  }
0x64: {  	_ =	shalt  }
0x65: {  	_ =	shalt  }
0x66: {  	_ =	shalt  }
0x67: {  	_ =	shalt  }
0x68: {  	_ =	shalt  }
0x69: {  	_ =	shalt  }
0x6a: {  	_ =	shalt  }
0x6b: {  	_ =	shalt  }
0x6c: {  	_ =	shalt  }
0x6d: {  	_ =	shalt  }
0x6e: {  	_ =	shalt  }
0x6f: {  	_ =	shalt  }
0x70: {  	_ =	shalt  }
0x71: {  	_ =	shalt  }
0x72: {  	_ =	shalt  }
0x73: {  	_ =	shalt  }
0x74: {  	_ =	shalt  }
0x75: {  	_ =	shalt  }
0x76: {  	_ =	shalt  }
0x77: {  	_ =	shalt  }
0x78: {  	_ =	shalt  }
0x79: {  	_ =	shalt  }
0x7a: {  	_ =	shalt  }
0x7b: {  	_ =	shalt  }
0x7c: {  	_ =	shalt  }
0x7d: {  	_ =	shalt  }
0x7e: {  	_ =	shalt  }
0x7f: {  	_ =	shalt  }
0x80: {  	_ =	shalt  }
0x81: {  	_ =	shalt  }
0x82: {  	_ =	shalt  }
0x83: {  	_ =	shalt  }
0x84: {  	_ =	shalt  }
0x85: {  	_ =	shalt  }
0x86: {  	_ =	shalt  }
0x87: {  	_ =	shalt  }
.Lfunc_end0:
.L_simem_size_0:
called_computation_lowered:
.L_overlay_start_0:
0x88: {  	s0 =	sld [smem:$0x3FD9]  }
0x89: {  	s1 =	sld [smem:$0x3FFE];
	_ =	sdelay $0x3  }
0x8a: {  	s0 =	sadd.s32 s1, s0  }
0x8b: {  	[smem:$0x3FC4] =	sst s0  }
0x8c: {  	_ = 	snop  }
0x8d: {  	s0 =	sld [smem:$0x3FC8]  }
0x8e: {  	s16 =	sld [smem:$0x3FC6]  }
0x8f: {  	s2 =	sld [smem:$0x3FD0];
	(tm) =	ssettm $0x1  }
0x90: {  	s3 =	sld [smem:$0x3FFB];
	_ =	sdelay $0x3  }
0x91: {  	_ =	strace s3  }
0x92: {  	s3 =	sld [smem:$0x3FFC];
	_ =	sdelay $0x3  }
0x93: {  	_ =	strace s3  }
0x94: {  	s3 =	sld [smem:$0x3FFD];
	_ =	sdelay $0x3  }
0x95: {  	_ =	strace s3  }
0x96: {  	_ =	strace $0x8FFFFFFF  }
0x97: {  	s17 =	sld [smem:$0x3FDB];
	_ =	sdelay $0x1  }
0x98: {  	s4 =	simm.s32 $_scs_section_size  }
0x99: {  	s5 =	simm.s32 $_size__tile_overlayer_lowered;
	s6 =	simm.s32 $_tile_overlayer_lowered  }
0x9a: {  	s20 =	simm.s32 $0x1BFF;
	s19 =	sshll.u32 s6, $0x1;
	s3 =	sadd.s32 s4, s17  }
0x9b: {  	s7 =	simm.s32 $0x0;
	s18 =	sshll.u32 s5, $0x1;
	s5 =	sadd.s32 s19, s3  }
0x9c: {  	[timem:s7], [sflag:s20] =	dma.local [hbm:s5], s18  }
0x9d: {  	_ =	swait.ge [sflag:s20], s18  }
0x9e: {  	s4 =	ssub.s32 $0x0, s18;
	[sflag:s20] =	ssyncset.done $0x0  }
0x9f: {  	[sflag:s20] =	ssyncadd.s32 s4;
	_ =	sdelay $0x1  }
0xa0: {  	s21 =	simm.s32 $0x1B8B  }
0xa1: {  	_ =	swait.ge [sflag:s21], $0x1  }
0xa2: {  	[sflag:s21] =	ssyncset.done $0x0  }
0xa3: {  	s23 =	simm.s32 $0x1B8E;
	s22 =	sld [smem:$0x3FFE];
	[sflag:s21] =	ssyncadd.s32 $0xFFFFFFFF  }
0xa4: {  	s24 =	simm.s32 $execute0_lowered;
	[smem:$0x3FD2] =	sst s23  }
0xa5: {  	s5 =	sshll.u32 s24, $0x1;
	_ =	strace $0x80000046;
	[dreg:$0x1] =	wrdreg $0xFFFFFFFF  }
0xa6: {  	s25 =	simm.s32 $_size_execute0_lowered;
	s3 =	sadd.s32 s3, s5;
	[dreg:$0x0] =	wrdreg $0x0  }
0xa7: {  	s5 =	sshll.u32 s25, $0x1;
	[dreg:$0x2] =	wrdreg s3  }
0xa8: {  	[dreg:$0x3] =	wrdreg s5  }
0xa9: {  	[dreg:$0x4] =	wrdreg $0xC0  }
0xaa: {  	_ =	task [dreg:s7], $0x5FFFF  }
0xab: {  	[dreg:$0x1] =	wrdreg $0xFFFFFFFF  }
0xac: {  	[dreg:$0x0] =	wrdreg $0x60  }
0xad: {  	[dreg:$0x2] =	wrdreg s0  }
0xae: {  	[dreg:$0x3] =	wrdreg s22  }
0xaf: {  	[dreg:$0x4] =	wrdreg s16  }
0xb0: {  	[dreg:$0x5] =	wrdreg s2  }
0xb1: {  	[dreg:$0x6] =	wrdreg $0x9  }
0xb2: {  	_ =	task.clear_ibuf [dreg:s7], $0x7FFFF;
	_ =	strace $0x90000046  }
0xb3: {  	s26 =	simm.s32 $0x9;
	_ =	strace $0x80000048  }
0xb4: {  	_ =	swait.ge [sflag:s26], $0x1  }
0xb5: {  	[sflag:s26] =	ssyncadd.s32 $0xFFFFFFFF  }
0xb6: {  	_ =	strace $0x90000048  }
0xb7: {  	_ =	sfence  }
0xb8: {  	s28 =	sld [smem:$0x0];
	_ =	sdelay $0x1  }
0xb9: {  	s29 =	srdreg.scid  }
0xba: {  	s30 =	sshll.u32 s29, $0xD;
	s31 =	sshrl.u32 s29, $0x2  }
0xbb: {  	s1 =	sand.u32 $0x1, s29;
	s2 =	sand.u32 $0x4000, s30;
	s0 =	sadd.s32 s31, s28  }
0xbc: {  	s1 =	sor.u32 s2, s1;
	s0 =	sshll.u32 s0, $0x11  }
0xbd: {  	s0 =	sor.u32 s0, s1  }
0xbe: {  	s0 =	sadd.s32 $0x8F2B, s0  }
0xbf: {  	[sflag:s0] =	ssyncadd.remote.s32 $0x1  }
0xc0: {  	_ =	sfence.sel $0xFFFF  }
0xc1: {  	[dreg:$0x0] =	wrdreg $0xFFFFFFFF;
	(pc) =	sbr.abs _section_cstart, $3  }
0xc2: {  	[dreg:$0x1] =	wrdreg $0xFFFFFFFF  }
0xc3: {  	_ =	task.clear_ibuf [dreg:s7], $0x2FFFF;
	_ =	strace $0x9FFFFFFF  }
0xc4: {  	(tm) =	ssettm $0x7FFFFFFF  }
0xc5: {  	_ =	shalt  }
tec
execute0_lowered:
.L_overlay_start_1:
0x0: {  	(tag) =	ssettag $0x1  }
0x1: {  	s3 =	rddreg [dreg:$0x0]  }
0x2: {  	s1 =	rddreg [dreg:$0x1]  }
0x3: {  	s5 =	rddreg [dreg:$0x2]  }
0x4: {  	s4 =	rddreg [dreg:$0x3];
	s2 =	simm.s32 $0x0  }
0x5: {  	s6 =	stileid.u32;
	[smem:$0x7FF] =	sst s2  }
0x6: {  	s0 =	rddreg [dreg:$0x4];
	p0 =	sne.s32 s6, $0x0;
	_ =	strace $0x80000047  }
0x7: {  	_ =	sfence.sel @p0 $0x180000  }
0x8: {  	[bflag:$0x0] =	sbarrier.arrive @p0 $0xFFFF  }
0x9: {  	_ =	strace @p0 $0x90000047  }
0xa: {  	[bflag:$0x2] =	sbarrier.arrive @p0 $0xFFFF  }
0xb: {  	_ =	shalt @p0  }
.LBB2_1:
0xc: {  	[tilespmem:s2], [sflag:$0x3] =	stream.linear.gather [hbm4b:s3+s2], $0x1, $0x38;
	[tilespmem:$0x200] =	vst v63  }
0xd: {  	s16 =	simm.s32 $0x3  }
0xe: {  	_ =	swait.ge [sflag:s16], $0x1  }
0xf: {  	[sflag:s16] =	ssyncset.done $0x0  }
0x10: {  	[sflag:s16] =	ssyncadd.s32 $0xFFFFFFFF  }
0x11: {  	v0 =	vld.msk [tilespmem:$0x0 ss:$0x0], $0xffff  }
0x12: {  	v1 =	vimm.s32 $0x1E3E7EFE  }
0x13: {  	v2 =	vimm.s32 $0x2060E;
	v1 =	vunpack.c.0.s8.s32 v1  }
0x14: {  	v3 =	vlaneseq.u32;
	v2 =	vunpack.c.0.s8.s32 v2  }
0x15: {  	vm0 =	vcmask $0x3F10;
	v4 =	vadd.s32 $0x1, v3;
	v1 =	vand.u32 $0xFF, v1  }
0x16: {  	v1 =	vsel vm0, v2, v1;
	v4 =	vshra.s32 v0, v4  }
0x17: {  	v1 =	vsub.s32 v1, v4  }
0x18: {  	v61 =	vshll.u32 v1, $0x4  }
0x19: {  	(v2sf) =	vpush v61, $0x0;
	_ =	sdelay $0x7  }
0x1a: {  	vm14 =	vmmov $0xff  }
0x1b: {  	v1 =	vnsel vm14, $0x0, v1;
	_ =	sdelay $0x3  }
0x1c: {  	vm1 =	vmmov $0xffff;
	s6 =	simm.s32 $0x80  }
0x1d: {  	[tilespmem:s6], [sflag:$0x2] =	stream.indirect_vreg.gather [hbm4b:s5+s2], $0x1, v1, vm1, $0xb8;
	[tilespmem:$0x200] =	vst v63  }
0x1e: {  	s17 =	spop (v2sf)  }
0x1f: {  	s18 =	sadd.s32 $0xC00, s1;
	s5 =	sand.u32 $0x1FFFFFF0, s17  }
0x20: {  	s7 =	simm.s32 $0x1C01;
	s5 =	sadd.s32 s18, s5  }
0x21: {  	[hbm:s4], [sflag:s7] =	dma.local [hbm:s5], $0x10  }
0x22: {  	(v2sf) =	vpush v61, $0x1;
	_ =	sdelay $0xe  }
0x23: {  	s5 =	spop (v2sf)  }
0x24: {  	s5 =	sand.u32 $0x1FFFFFF0, s5  }
0x25: {  	s8 =	sadd.s32 $0x10, s4;
	s5 =	sadd.s32 s18, s5  }
0x26: {  	[hbm:s8], [sflag:s7] =	dma.local [hbm:s5], $0x10  }
0x27: {  	(v2sf) =	vpush v61, $0x2;
	_ =	sdelay $0xe  }
0x28: {  	s5 =	spop (v2sf)  }
0x29: {  	s5 =	sand.u32 $0x1FFFFFF0, s5  }
0x2a: {  	s19 =	sadd.s32 $0x20, s4;
	s5 =	sadd.s32 s18, s5  }
0x2b: {  	[hbm:s19], [sflag:s7] =	dma.local [hbm:s5], $0x10  }
0x2c: {  	(v2sf) =	vpush v61, $0x3;
	_ =	sdelay $0xe  }
0x2d: {  	s5 =	spop (v2sf)  }
0x2e: {  	s5 =	sand.u32 $0x1FFFFFF0, s5  }
0x2f: {  	s20 =	sadd.s32 $0x30, s4;
	s5 =	sadd.s32 s18, s5  }
0x30: {  	[hbm:s20], [sflag:s7] =	dma.local [hbm:s5], $0x10  }
0x31: {  	(v2sf) =	vpush v61, $0x4;
	_ =	sdelay $0xe  }
0x32: {  	s5 =	spop (v2sf)  }
0x33: {  	s5 =	sand.u32 $0x1FFFFFF0, s5  }
0x34: {  	s21 =	sadd.s32 $0x40, s4;
	s5 =	sadd.s32 s18, s5  }
0x35: {  	[hbm:s21], [sflag:s7] =	dma.local [hbm:s5], $0x10  }
0x36: {  	(v2sf) =	vpush v61, $0x5;
	_ =	sdelay $0xe  }
0x37: {  	s5 =	spop (v2sf)  }
0x38: {  	s5 =	sand.u32 $0x1FFFFFF0, s5  }
0x39: {  	s22 =	sadd.s32 $0x50, s4;
	s5 =	sadd.s32 s18, s5  }
0x3a: {  	[hbm:s22], [sflag:s7] =	dma.local [hbm:s5], $0x10  }
0x3b: {  	(v2sf) =	vpush v61, $0x6;
	_ =	sdelay $0xe  }
0x3c: {  	s5 =	spop (v2sf)  }
0x3d: {  	s5 =	sand.u32 $0x1FFFFFF0, s5  }
0x3e: {  	s23 =	sadd.s32 $0x60, s4;
	s5 =	sadd.s32 s18, s5  }
0x3f: {  	[hbm:s23], [sflag:s7] =	dma.local [hbm:s5], $0x10  }
0x40: {  	(v2sf) =	vpush v61, $0x7;
	_ =	sdelay $0xc  }
0x41: {  	s24 =	sadd.s32 $0xF0, s4  }
0x42: {  	s25 =	sadd.s32 $0xE0, s4;
	s9 =	sadd.s32 $0xD0, s4;
	s10 =	sadd.s32 $0xC0, s4  }
0x43: {  	s11 =	sadd.s32 $0xB0, s4;
	s13 =	sadd.s32 $0xA0, s4;
	s12 =	spop (v2sf)  }
0x44: {  	s14 =	sadd.s32 $0x90, s4;
	s15 =	sadd.s32 $0x80, s4;
	s12 =	sand.u32 $0x1FFFFFF0, s12  }
0x45: {  	s26 =	sadd.s32 $0x70, s4;
	s28 =	simm.s32 $0x2;
	s12 =	sadd.s32 s18, s12  }
0x46: {  	[hbm:s26], [sflag:s7] =	dma.local [hbm:s12], $0x10  }
0x47: {  	[hbm:s15], [sflag:s7] =	dma.local [hbm:s18], $0x10  }
0x48: {  	[hbm:s14], [sflag:s7] =	dma.local [hbm:s18], $0x10  }
0x49: {  	[hbm:s13], [sflag:s7] =	dma.local [hbm:s18], $0x10  }
0x4a: {  	[hbm:s11], [sflag:s7] =	dma.local [hbm:s18], $0x10  }
0x4b: {  	[hbm:s10], [sflag:s7] =	dma.local [hbm:s18], $0x10  }
0x4c: {  	[hbm:s9], [sflag:s7] =	dma.local [hbm:s18], $0x10  }
0x4d: {  	[hbm:s25], [sflag:s7] =	dma.local [hbm:s18], $0x10  }
0x4e: {  	[hbm:s24], [sflag:s7] =	dma.local [hbm:s18], $0x10  }
0x4f: {  	_ =	swait.ge [sflag:s28], $0x10  }
0x50: {  	v0 =	vshrl.u32 v0, v3;
	[sflag:s28] =	ssyncset.done $0x0  }
0x51: {  	v0 =	vshll.u32 v0, $0x1;
	[sflag:s28] =	ssyncadd.s32 $0xFFFFFFF0  }
0x52: {  	v0 =	vand.u32 $0x2, v0;
	v62 =	vld [tilespmem:$0x80]  }
0x53: {  	v0 =	vadd.s32 $0xFFFFFFFF, v0  }
0x54: {  	v0 =	vcvt.s32.f32 v0;
	_ =	sdelay $0x1  }
0x55: {  	v0 =	vnsel vm14, $0x0, v0  }
0x56: {  	v63 =	vimm.f32 $3.000000000e+01;
	vm15 =	vcmask $0x1F00;
	v1 =	vmul.f32 v62, v0  }
0x57: {  	v2 =	vsel vm15, $0x0, v63  }
0x58: {  	v1 =	vadd.f32 v2, v1  }
0x59: {  	[tilespmem:$0x100] =	vst v0  }
0x5a: {  	s29 =	sadd.s32 $0x1C00, s1;
	s30 =	simm.s32 $0x100;
	[tilespmem:$0x180] =	vst v1  }
0x5b: {  	[hbm4b:s29+s2] =	stream.linear.scatter [tilespmem:s30], [sflag:$0x3], $0x100, $0x38;
	[tilespmem:$0x200] =	vst v63  }
0x5c: {  	_ =	swait.ge [sflag:s16], $0x100  }
0x5d: {  	[sflag:s16] =	ssyncset.done $0x0  }
0x5e: {  	s31 =	simm.s32 $0x1;
	[sflag:s16] =	ssyncadd.s32 $0xFFFFFF00  }
0x5f: {  	_ =	swait.ge [sflag:s31], $0x10  }
0x60: {  	[sflag:s31] =	ssyncset.done $0x0  }
0x61: {  	[sflag:s31] =	ssyncadd.s32 $0xFFFFFFF0  }
0x62: {  	_ =	swait.ge [sflag:s31], $0x10  }
0x63: {  	[sflag:s31] =	ssyncset.done $0x0  }
0x64: {  	[sflag:s31] =	ssyncadd.s32 $0xFFFFFFF0  }
0x65: {  	_ =	swait.ge [sflag:s31], $0x10  }
0x66: {  	[sflag:s31] =	ssyncset.done $0x0  }
0x67: {  	[sflag:s31] =	ssyncadd.s32 $0xFFFFFFF0  }
0x68: {  	_ =	swait.ge [sflag:s31], $0x10  }
0x69: {  	[sflag:s31] =	ssyncset.done $0x0  }
0x6a: {  	[sflag:s31] =	ssyncadd.s32 $0xFFFFFFF0  }
0x6b: {  	_ =	swait.ge [sflag:s31], $0x10  }
0x6c: {  	[sflag:s31] =	ssyncset.done $0x0  }
0x6d: {  	[sflag:s31] =	ssyncadd.s32 $0xFFFFFFF0  }
0x6e: {  	_ =	swait.ge [sflag:s31], $0x10  }
0x6f: {  	[sflag:s31] =	ssyncset.done $0x0  }
0x70: {  	[sflag:s31] =	ssyncadd.s32 $0xFFFFFFF0  }
0x71: {  	_ =	swait.ge [sflag:s31], $0x10  }
0x72: {  	[sflag:s31] =	ssyncset.done $0x0  }
0x73: {  	[sflag:s31] =	ssyncadd.s32 $0xFFFFFFF0  }
0x74: {  	_ =	swait.ge [sflag:s31], $0x10  }
0x75: {  	[sflag:s31] =	ssyncset.done $0x0  }
0x76: {  	[sflag:s31] =	ssyncadd.s32 $0xFFFFFFF0  }
0x77: {  	_ =	swait.ge [sflag:s31], $0x10  }
0x78: {  	[sflag:s31] =	ssyncset.done $0x0  }
0x79: {  	[sflag:s31] =	ssyncadd.s32 $0xFFFFFFF0  }
0x7a: {  	_ =	swait.ge [sflag:s31], $0x10  }
0x7b: {  	[sflag:s31] =	ssyncset.done $0x0  }
0x7c: {  	[sflag:s31] =	ssyncadd.s32 $0xFFFFFFF0  }
0x7d: {  	_ =	swait.ge [sflag:s31], $0x10  }
0x7e: {  	[sflag:s31] =	ssyncset.done $0x0  }
0x7f: {  	[sflag:s31] =	ssyncadd.s32 $0xFFFFFFF0  }
0x80: {  	_ =	swait.ge [sflag:s31], $0x10  }
0x81: {  	[sflag:s31] =	ssyncset.done $0x0  }
0x82: {  	[sflag:s31] =	ssyncadd.s32 $0xFFFFFFF0  }
0x83: {  	_ =	swait.ge [sflag:s31], $0x10  }
0x84: {  	[sflag:s31] =	ssyncset.done $0x0  }
0x85: {  	[sflag:s31] =	ssyncadd.s32 $0xFFFFFFF0  }
0x86: {  	_ =	swait.ge [sflag:s31], $0x10  }
0x87: {  	[sflag:s31] =	ssyncset.done $0x0  }
0x88: {  	[sflag:s31] =	ssyncadd.s32 $0xFFFFFFF0  }
0x89: {  	_ =	swait.ge [sflag:s31], $0x10  }
0x8a: {  	[sflag:s31] =	ssyncset.done $0x0  }
0x8b: {  	[sflag:s31] =	ssyncadd.s32 $0xFFFFFFF0  }
0x8c: {  	_ =	swait.ge [sflag:s31], $0x10  }
0x8d: {  	[sflag:s31] =	ssyncset.done $0x0  }
0x8e: {  	[sflag:s31] =	ssyncadd.s32 $0xFFFFFFF0  }
0x8f: {  	_ =	sfence.sel $0x180000  }
0x90: {  	[bflag:$0x0] =	sbarrier.arrive $0xFFFF  }
0x91: {  	_ =	strace $0x90000047  }
0x92: {  	s0 =	sadd.s32 $0x100000, s0;
	[bflag:$0x2] =	sbarrier.arrive $0xFFFF  }
0x93: {  	[sflag:s0] =	ssyncadd.tile.s32 $0x1;
	_ =	shalt  }
.Lfunc_end2:
_tile_overlayer_lowered:
.L_overlay_start_2:
0x94: {  	(tag) =	ssettag $0x2  }
0x95: {  	s0 =	rddreg [dreg:$0x0];
	s2 =	stileid.u32  }
0x96: {  	s1 =	rddreg [dreg:$0x1];
	p0 =	sne.s32 s2, $0x0  }
0x97: {  	s3 =	rddreg [dreg:$0x2];
	[bflag:$0x3] =	sbarrier.arrive $0xFFFF;
	s2 =	simm.s32 @!p0 $0x1C03  }
0x98: {  	[timem:s3], [sflag:s2] =	dma.local @!p0 [hbm:s0], s1  }
0x99: {  	s0 =	simm.s32 @!p0 $0x3  }
0x9a: {  	_ =	swait.ge @!p0 [sflag:s0], s1  }
0x9b: {  	s1 =	ssub.s32 @!p0 $0x0, s1;
	[sflag:s0] =	ssyncset.done @!p0 $0x0  }
0x9c: {  	[sflag:s0] =	ssyncadd.s32 @!p0 s1  }
0x9d: {  	[bflag:$0x3] =	sbarrier.arrive $0xFFFF  }
0x9e: {  	_ =	shalt  }

</sc_bundles>
